<compile_context>
chip_gen: v7x
topology: tpu7x:2x2x1
jax: 0.10.2.dev20260603
libtpu: 0.0.44.dev20260713+nightly
codegen_flags: <defaults>
</compile_context>

<pallas_src>
import functools

import jax
import jax.numpy as jnp
from jax import lax
from jax.experimental import pallas as pl
from jax.experimental.pallas import tpu as pltpu
from jax.experimental.pallas import tpu_sc as plsc

DIM = 64
N_CODES = 1024
BATCH = 16
HW = 1024
N_TOKENS = BATCH * HW
INV_TOKENS = 1.0 / N_TOKENS
INV_HWD = 1.0 / (HW * DIM)

NW = 32
BPW = N_TOKENS // NW


def _vq_tc_body(x_ref, embed_ref, ind_ref, diff_ref, perp_ref, counts_ref):
    b = pl.program_id(0)
    x_b = x_ref[0]
    embed = embed_ref[...]
    z2 = jnp.sum(x_b * x_b, axis=0)
    e2 = jnp.sum(embed * embed, axis=0)
    prod = lax.dot_general(embed, x_b, (((0,), (0,)), ((), ())),
                           preferred_element_type=jnp.float32)
    neg = (2.0 * prod - z2[None, :]) - e2[:, None]
    m = jnp.max(neg, axis=0)
    ind = jnp.argmax(neg, axis=0).astype(jnp.int32)
    ind_ref[...] = ind
    diff_ref[0] = jnp.sum(-m.reshape(1, HW), axis=1, keepdims=True) * INV_HWD
    onehot = (neg == m[None, :]).astype(jnp.float32)
    counts = lax.dot_general(onehot, jnp.ones((HW, 1), jnp.float32),
                             (((1,), (0,)), ((), ())),
                             preferred_element_type=jnp.float32)

    @pl.when(b == 0)
    def _init():
        counts_ref[...] = counts

    @pl.when(b > 0)
    def _acc():
        counts_ref[...] = counts_ref[...] + counts

    @pl.when(b == BATCH - 1)
    def _fin():
        avg = counts_ref[...] * INV_TOKENS
        ent = jnp.sum(avg * jnp.log(avg + 1e-10), axis=0, keepdims=True)
        perp_ref[...] = jnp.exp(-ent)


def _vq_tc(x3, embed):
    return pl.pallas_call(
        _vq_tc_body,
        grid=(BATCH,),
        in_specs=[
            pl.BlockSpec((1, DIM, HW), lambda b: (b, 0, 0)),
            pl.BlockSpec((DIM, N_CODES), lambda b: (0, 0)),
        ],
        out_specs=[
            pl.BlockSpec((HW,), lambda b: (b,)),
            pl.BlockSpec((1, 1, 1), lambda b: (b, 0, 0)),
            pl.BlockSpec((1, 1), lambda b: (0, 0)),
        ],
        out_shape=[
            jax.ShapeDtypeStruct((N_TOKENS,), jnp.int32),
            jax.ShapeDtypeStruct((BATCH, 1, 1), jnp.float32),
            jax.ShapeDtypeStruct((1, 1), jnp.float32),
        ],
        scratch_shapes=[pltpu.VMEM((N_CODES, 1), jnp.float32)],
        compiler_params=pltpu.CompilerParams(allow_input_fusion=[0]),
    )(x3, embed)


def _sc_gather(idx_flat, embed):
    mesh = plsc.VectorSubcoreMesh(core_axis_name="c", subcore_axis_name="s")

    @functools.partial(
        pl.kernel, mesh=mesh,
        out_type=jax.ShapeDtypeStruct((BATCH, DIM, HW), jnp.float32),
        scratch_types=[
            pltpu.VMEM((DIM, N_CODES), jnp.float32),
            pltpu.VMEM((BPW,), jnp.int32),
            pltpu.VMEM((DIM, BPW), jnp.float32),
            pltpu.SemaphoreType.DMA,
        ],
        compiler_params=pltpu.CompilerParams(
            use_tc_tiling_on_sc=False, needs_layout_passes=False),
    )
    def k(idx_hbm, embed_hbm, out_hbm, embed_v, idx_v, vals_v, sem):
        wid = lax.axis_index("s") * 2 + lax.axis_index("c")
        b = wid // 2
        hw0 = (wid % 2) * BPW
        copy = pltpu.async_copy(embed_hbm, embed_v, sem)
        pltpu.sync_copy(idx_hbm.at[pl.ds(b * HW + hw0, BPW)], idx_v)
        copy.wait()

        def per_group(g, _):
            idx16 = idx_v[pl.ds(g * 16, 16)]

            def per_dim(d, _):
                dvec = jnp.full((16,), 0, jnp.int32) + d
                vals_v[d, pl.ds(g * 16, 16)] = plsc.load_gather(
                    embed_v, [dvec, idx16])
                return 0

            lax.fori_loop(0, DIM, per_dim, 0, unroll=8)
            return 0

        lax.fori_loop(0, BPW // 16, per_group, 0)
        pltpu.sync_copy(vals_v, out_hbm.at[b, :, pl.ds(hw0, BPW)])

    return k(idx_flat, embed)


def kernel(x, embed):
    x3 = x.reshape(BATCH, DIM, HW)
    ind1, diff3, perp2 = _vq_tc(x3, embed)
    quantize = _sc_gather(ind1, embed).reshape(BATCH, DIM, 32, 32)
    return quantize, diff3.reshape(BATCH, 1), perp2.reshape(())

# --- scband reference (transcript-rebuilt; emitter-appended) ---
"""Pipeline reference for scband-quantize-24910810316943 (READ-ONLY COPY).

The authoritative reference and input builder live on the scoring server;
editing this copy changes nothing except your own understanding.
"""

import jax, jax.numpy as jnp
import numpy as np

DIM = 64
N_EMBED = 1024
COMMITMENT = 1.0


def setup_inputs(seed: int = 0) -> dict:
    key = jax.random.key(seed)
    k1, k2 = jax.random.split(key)
    x = jax.random.normal(k1, (16, DIM, 32, 32), dtype=jnp.float32)
    embed = jax.random.normal(k2, (DIM, N_EMBED), dtype=jnp.float32)
    return {"x": x, "embed": embed}


def reference(x, embed):
    # eval-mode forward (no EMA buffer updates)
    xp = jnp.transpose(x, (0, 2, 3, 1))  # NCHW -> NHWC
    input_shape = xp.shape
    flatten = xp.reshape(-1, DIM)
    dist = (jnp.sum(flatten ** 2, axis=1, keepdims=True)
            - 2.0 * flatten @ embed
            + jnp.sum(embed ** 2, axis=0, keepdims=True))
    embed_ind = jnp.argmax(-dist, axis=1)
    embed_onehot = jax.nn.one_hot(embed_ind, N_EMBED, dtype=flatten.dtype)
    embed_ind_r = embed_ind.reshape(input_shape[:-1])
    # embedding lookup into transposed codebook
    quantize = jnp.take(embed.T, embed_ind_r, axis=0).reshape(input_shape)
    diff = COMMITMENT * jnp.mean(
        jnp.mean((jax.lax.stop_gradient(quantize) - xp) ** 2, axis=(1, 2)),
        axis=1, keepdims=True)
    quantize_st = xp + jax.lax.stop_gradient(quantize - xp)
    avg_probs = jnp.mean(embed_onehot, axis=0)
    perplexity = jnp.exp(-jnp.sum(avg_probs * jnp.log(avg_probs + 1e-10)))
    return (jnp.transpose(quantize_st, (0, 3, 1, 2)), diff, perplexity)

if __name__ == "__main__":
    import jax
    _d = setup_inputs()
    print(jax.jit(kernel)(*tuple(_d.values())))

</pallas_src>

<mosaic_0001>
#map = affine_map<(d0, d1) -> (0)>
#map1 = affine_map<(d0, d1) -> (0, 0)>
#map2 = affine_map<(d0, d1) -> (0, 0, 0)>
module attributes {stable_mosaic.version = 14 : i64} {
  func.func @k(%arg0: i32, %arg1: i32, %arg2: memref<16384xi32, #tpu.memory_space<hbm>>, %arg3: memref<64x1024xf32, #tpu.memory_space<hbm>>, %arg4: memref<16x64x1024xf32, #tpu.memory_space<hbm>>, %arg5: memref<64x1024xf32, #tpu.memory_space<vmem>>, %arg6: memref<512xi32, #tpu.memory_space<vmem>>, %arg7: memref<64x512xf32, #tpu.memory_space<vmem>>, %arg8: memref<!tpu.dma_semaphore, #tpu.memory_space<semaphore_mem>>) attributes {dimension_semantics = [#tpu.dimension_semantics<core_parallel>, #tpu.dimension_semantics<subcore_parallel>], iteration_bounds = array<i64: 2, 16>, scalar_prefetch = 0 : i64, scratch_operands = 4 : i64, tpu.core_type = #tpu.core_type<sc_vector_subcore>, window_params = [{transform_indices = #map}, {transform_indices = #map1}, {transform_indices = #map2}]} {
    %mul3A = arith.constant 2 : i32
    %mul3A_0 = arith.muli %arg1, %mul3A : i32
    %add3A = arith.addi %mul3A_0, %arg0 : i32
    %jit3A = arith.constant 2 : i32
    %div3A = arith.divsi %add3A, %jit3A : i32
    %sign3A = arith.constant 0 : i32
    %sign3A_1 = arith.cmpi sgt, %add3A, %sign3A : i32
    %sign3A_2 = arith.extui %sign3A_1 : i1 to i32
    %sign3A_3 = arith.constant 0 : i32
    %sign3A_4 = arith.cmpi slt, %add3A, %sign3A_3 : i32
    %sign3A_5 = arith.extui %sign3A_4 : i1 to i32
    %sign3A_6 = arith.subi %sign3A_2, %sign3A_5 : i32
    %sign3A_7 = arith.constant 0 : i32
    %sign3A_8 = arith.cmpi sgt, %jit3A, %sign3A_7 : i32
    %sign3A_9 = arith.extui %sign3A_8 : i1 to i32
    %sign3A_10 = arith.constant 0 : i32
    %sign3A_11 = arith.cmpi slt, %jit3A, %sign3A_10 : i32
    %sign3A_12 = arith.extui %sign3A_11 : i1 to i32
    %sign3A_13 = arith.subi %sign3A_9, %sign3A_12 : i32
    %ne3A = arith.cmpi ne, %sign3A_6, %sign3A_13 : i32
    %rem3A = arith.remsi %add3A, %jit3A : i32
    %ne3A_14 = arith.constant 0 : i32
    %ne3A_15 = arith.cmpi ne, %rem3A, %ne3A_14 : i32
    %and3A = arith.andi %ne3A, %ne3A_15 : i1
    %sub3A = arith.constant 1 : i32
    %sub3A_16 = arith.subi %div3A, %sub3A : i32
    %select_n3A = arith.select %and3A, %sub3A_16, %div3A : i32
    %jit3A_17 = arith.constant 2 : i32
    %eq3A = arith.constant 0 : i32
    %eq3A_18 = arith.cmpi eq, %jit3A_17, %eq3A : i32
    %jit3A_19 = arith.constant 1 : i32
    %select_n3A_20 = arith.select %eq3A_18, %jit3A_19, %jit3A_17 : i32
    %rem3A_21 = arith.remsi %add3A, %select_n3A_20 : i32
    %ne3A_22 = arith.constant 0 : i32
    %ne3A_23 = arith.cmpi ne, %rem3A_21, %ne3A_22 : i32
    %lt3A = arith.constant 0 : i32
    %lt3A_24 = arith.cmpi slt, %rem3A_21, %lt3A : i32
    %lt3A_25 = arith.constant 0 : i32
    %lt3A_26 = arith.cmpi slt, %select_n3A_20, %lt3A_25 : i32
    %ne3A_27 = arith.xori %lt3A_24, %lt3A_26 : i1
    %and3A_28 = arith.andi %ne3A_27, %ne3A_23 : i1
    %add3A_29 = arith.addi %rem3A_21, %select_n3A_20 : i32
    %select_n3A_30 = arith.select %and3A_28, %add3A_29, %rem3A_21 : i32
    %mul3A_31 = arith.constant 512 : i32
    %mul3A_32 = arith.muli %select_n3A_30, %mul3A_31 : i32
    tpu.enqueue_dma source(%arg3 : memref<64x1024xf32, #tpu.memory_space<hbm>>) target(%arg5 : memref<64x1024xf32, #tpu.memory_space<vmem>>) target_semaphore(%arg8 : memref<!tpu.dma_semaphore, #tpu.memory_space<semaphore_mem>>)
    %mul3A_33 = arith.constant 1024 : i32
    %mul3A_34 = arith.muli %select_n3A, %mul3A_33 : i32
    %add3A_35 = arith.addi %mul3A_34, %mul3A_32 : i32
    "tpu.region"() ({
      %run_scoped3A = tpu.sem_alloc : memref<!tpu.dma_semaphore, #tpu.memory_space<semaphore_mem>>
      %dma_start3A = tpu.memref_slice %arg2[%add3A_35] : memref<16384xi32, #tpu.memory_space<hbm>> -> memref<512xi32, #tpu.memory_space<hbm>>
      %dma_start3A_42 = tpu.memref_slice %arg2[%add3A_35] : memref<16384xi32, #tpu.memory_space<hbm>> -> memref<512xi32, #tpu.memory_space<hbm>>
      tpu.enqueue_dma source(%dma_start3A_42 : memref<512xi32, #tpu.memory_space<hbm>>) target(%arg6 : memref<512xi32, #tpu.memory_space<vmem>>) target_semaphore(%run_scoped3A : memref<!tpu.dma_semaphore, #tpu.memory_space<semaphore_mem>>)
      %dma_wait3A = tpu.memref_slice %arg2[%add3A_35] : memref<16384xi32, #tpu.memory_space<hbm>> -> memref<512xi32, #tpu.memory_space<hbm>>
      %dma_wait3A_43 = tpu.memref_slice %arg2[%add3A_35] : memref<16384xi32, #tpu.memory_space<hbm>> -> memref<512xi32, #tpu.memory_space<hbm>>
      tpu.wait_dma2 semaphore(%run_scoped3A : memref<!tpu.dma_semaphore, #tpu.memory_space<semaphore_mem>>) src(%dma_wait3A_43 : memref<512xi32, #tpu.memory_space<hbm>>) dst(%arg6 : memref<512xi32, #tpu.memory_space<vmem>>)
      tpu.yield
    }) : () -> ()
    tpu.wait_dma2 semaphore(%arg8 : memref<!tpu.dma_semaphore, #tpu.memory_space<semaphore_mem>>) src(%arg3 : memref<64x1024xf32, #tpu.memory_space<hbm>>) dst(%arg5 : memref<64x1024xf32, #tpu.memory_space<vmem>>)
    %scan3A = arith.constant 0 : i32
    %scan3A_36 = arith.constant 0 : i32
    %scan3A_37 = arith.constant 32 : i32
    %scan3A_38 = arith.addi %scan3A_36, %scan3A_37 : i32
    %scan3A_39 = arith.constant 1 : i32
    %scan3A_40 = scf.for %scan3A_42 = %scan3A_36 to %scan3A_38 step %scan3A_39 iter_args(%scan3A_43 = %scan3A) -> (i32)  : i32 {
      %mul3A_44 = arith.constant 16 : i32
      %mul3A_45 = arith.muli %scan3A_42, %mul3A_44 : i32
      %get3A = arith.index_cast %mul3A_45 : i32 to index
      %get3A_46 = tpu.vector_load %arg6[%get3A] {strides = array<i32>} : memref<512xi32, #tpu.memory_space<vmem>>, vector<16xi32>,
      %scan3A_47 = arith.constant 0 : i32
      %scan3A_48 = arith.constant 0 : i32
      %scan3A_49 = arith.constant 64 : i32
      %scan3A_50 = arith.addi %scan3A_48, %scan3A_49 : i32
      %scan3A_51 = arith.constant 8 : i32
      %scan3A_52 = scf.for %scan3A_55 = %scan3A_48 to %scan3A_50 step %scan3A_51 iter_args(%scan3A_56 = %scan3A_47) -> (i32)  : i32 {
        %broadcast_in_dim3A = arith.constant 0 : i32
        %broadcast_in_dim3A_57 = vector.broadcast %broadcast_in_dim3A : i32 to vector<16xi32>
        %add3A_58 = vector.broadcast %scan3A_55 : i32 to vector<16xi32>
        %add3A_59 = arith.addi %broadcast_in_dim3A_57, %add3A_58 : vector<16xi32>
        %gather3A = tpu.vector_load_idx %arg5[%add3A_59, %get3A_46] : memref<64x1024xf32, #tpu.memory_space<vmem>>[vector<16xi32>, vector<16xi32>], vector<16xf32>,
        %mul3A_60 = arith.constant 16 : i32
        %mul3A_61 = arith.muli %scan3A_42, %mul3A_60 : i32
        %swap3A = arith.index_cast %scan3A_55 : i32 to index
        %swap3A_62 = arith.index_cast %mul3A_61 : i32 to index
        %swap3A_63 = tpu.vector_load %arg7[%swap3A, %swap3A_62] {strides = array<i32>} : memref<64x512xf32, #tpu.memory_space<vmem>>, vector<16xf32>,
        tpu.vector_store %arg7[%swap3A, %swap3A_62], %gather3A {strides = array<i32>} : memref<64x512xf32, #tpu.memory_space<vmem>>, vector<16xf32>,
        %scan3A_64 = arith.constant 0 : i32
        %scan3A_65 = arith.constant 1 : i32
        %scan3A_66 = arith.addi %scan3A_55, %scan3A_65 : i32
        %broadcast_in_dim3A_67 = arith.constant 0 : i32
        %broadcast_in_dim3A_68 = vector.broadcast %broadcast_in_dim3A_67 : i32 to vector<16xi32>
        %add3A_69 = vector.broadcast %scan3A_66 : i32 to vector<16xi32>
        %add3A_70 = arith.addi %broadcast_in_dim3A_68, %add3A_69 : vector<16xi32>
        %gather3A_71 = tpu.vector_load_idx %arg5[%add3A_70, %get3A_46] : memref<64x1024xf32, #tpu.memory_space<vmem>>[vector<16xi32>, vector<16xi32>], vector<16xf32>,
        %mul3A_72 = arith.constant 16 : i32
        %mul3A_73 = arith.muli %scan3A_42, %mul3A_72 : i32
        %swap3A_74 = arith.index_cast %scan3A_66 : i32 to index
        %swap3A_75 = arith.index_cast %mul3A_73 : i32 to index
        %swap3A_76 = tpu.vector_load %arg7[%swap3A_74, %swap3A_75] {strides = array<i32>} : memref<64x512xf32, #tpu.memory_space<vmem>>, vector<16xf32>,
        tpu.vector_store %arg7[%swap3A_74, %swap3A_75], %gather3A_71 {strides = array<i32>} : memref<64x512xf32, #tpu.memory_space<vmem>>, vector<16xf32>,
        %scan3A_77 = arith.constant 0 : i32
        %scan3A_78 = arith.constant 2 : i32
        %scan3A_79 = arith.addi %scan3A_55, %scan3A_78 : i32
        %broadcast_in_dim3A_80 = arith.constant 0 : i32
        %broadcast_in_dim3A_81 = vector.broadcast %broadcast_in_dim3A_80 : i32 to vector<16xi32>
        %add3A_82 = vector.broadcast %scan3A_79 : i32 to vector<16xi32>
        %add3A_83 = arith.addi %broadcast_in_dim3A_81, %add3A_82 : vector<16xi32>
        %gather3A_84 = tpu.vector_load_idx %arg5[%add3A_83, %get3A_46] : memref<64x1024xf32, #tpu.memory_space<vmem>>[vector<16xi32>, vector<16xi32>], vector<16xf32>,
        %mul3A_85 = arith.constant 16 : i32
        %mul3A_86 = arith.muli %scan3A_42, %mul3A_85 : i32
        %swap3A_87 = arith.index_cast %scan3A_79 : i32 to index
        %swap3A_88 = arith.index_cast %mul3A_86 : i32 to index
        %swap3A_89 = tpu.vector_load %arg7[%swap3A_87, %swap3A_88] {strides = array<i32>} : memref<64x512xf32, #tpu.memory_space<vmem>>, vector<16xf32>,
        tpu.vector_store %arg7[%swap3A_87, %swap3A_88], %gather3A_84 {strides = array<i32>} : memref<64x512xf32, #tpu.memory_space<vmem>>, vector<16xf32>,
        %scan3A_90 = arith.constant 0 : i32
        %scan3A_91 = arith.constant 3 : i32
        %scan3A_92 = arith.addi %scan3A_55, %scan3A_91 : i32
        %broadcast_in_dim3A_93 = arith.constant 0 : i32
        %broadcast_in_dim3A_94 = vector.broadcast %broadcast_in_dim3A_93 : i32 to vector<16xi32>
        %add3A_95 = vector.broadcast %scan3A_92 : i32 to vector<16xi32>
        %add3A_96 = arith.addi %broadcast_in_dim3A_94, %add3A_95 : vector<16xi32>
        %gather3A_97 = tpu.vector_load_idx %arg5[%add3A_96, %get3A_46] : memref<64x1024xf32, #tpu.memory_space<vmem>>[vector<16xi32>, vector<16xi32>], vector<16xf32>,
        %mul3A_98 = arith.constant 16 : i32
        %mul3A_99 = arith.muli %scan3A_42, %mul3A_98 : i32
        %swap3A_100 = arith.index_cast %scan3A_92 : i32 to index
        %swap3A_101 = arith.index_cast %mul3A_99 : i32 to index
        %swap3A_102 = tpu.vector_load %arg7[%swap3A_100, %swap3A_101] {strides = array<i32>} : memref<64x512xf32, #tpu.memory_space<vmem>>, vector<16xf32>,
        tpu.vector_store %arg7[%swap3A_100, %swap3A_101], %gather3A_97 {strides = array<i32>} : memref<64x512xf32, #tpu.memory_space<vmem>>, vector<16xf32>,
        %scan3A_103 = arith.constant 0 : i32
        %scan3A_104 = arith.constant 4 : i32
        %scan3A_105 = arith.addi %scan3A_55, %scan3A_104 : i32
        %broadcast_in_dim3A_106 = arith.constant 0 : i32
        %broadcast_in_dim3A_107 = vector.broadcast %broadcast_in_dim3A_106 : i32 to vector<16xi32>
        %add3A_108 = vector.broadcast %scan3A_105 : i32 to vector<16xi32>
        %add3A_109 = arith.addi %broadcast_in_dim3A_107, %add3A_108 : vector<16xi32>
        %gather3A_110 = tpu.vector_load_idx %arg5[%add3A_109, %get3A_46] : memref<64x1024xf32, #tpu.memory_space<vmem>>[vector<16xi32>, vector<16xi32>], vector<16xf32>,
        %mul3A_111 = arith.constant 16 : i32
        %mul3A_112 = arith.muli %scan3A_42, %mul3A_111 : i32
        %swap3A_113 = arith.index_cast %scan3A_105 : i32 to index
        %swap3A_114 = arith.index_cast %mul3A_112 : i32 to index
        %swap3A_115 = tpu.vector_load %arg7[%swap3A_113, %swap3A_114] {strides = array<i32>} : memref<64x512xf32, #tpu.memory_space<vmem>>, vector<16xf32>,
        tpu.vector_store %arg7[%swap3A_113, %swap3A_114], %gather3A_110 {strides = array<i32>} : memref<64x512xf32, #tpu.memory_space<vmem>>, vector<16xf32>,
        %scan3A_116 = arith.constant 0 : i32
        %scan3A_117 = arith.constant 5 : i32
        %scan3A_118 = arith.addi %scan3A_55, %scan3A_117 : i32
        %broadcast_in_dim3A_119 = arith.constant 0 : i32
        %broadcast_in_dim3A_120 = vector.broadcast %broadcast_in_dim3A_119 : i32 to vector<16xi32>
        %add3A_121 = vector.broadcast %scan3A_118 : i32 to vector<16xi32>
        %add3A_122 = arith.addi %broadcast_in_dim3A_120, %add3A_121 : vector<16xi32>
        %gather3A_123 = tpu.vector_load_idx %arg5[%add3A_122, %get3A_46] : memref<64x1024xf32, #tpu.memory_space<vmem>>[vector<16xi32>, vector<16xi32>], vector<16xf32>,
        %mul3A_124 = arith.constant 16 : i32
        %mul3A_125 = arith.muli %scan3A_42, %mul3A_124 : i32
        %swap3A_126 = arith.index_cast %scan3A_118 : i32 to index
        %swap3A_127 = arith.index_cast %mul3A_125 : i32 to index
        %swap3A_128 = tpu.vector_load %arg7[%swap3A_126, %swap3A_127] {strides = array<i32>} : memref<64x512xf32, #tpu.memory_space<vmem>>, vector<16xf32>,
        tpu.vector_store %arg7[%swap3A_126, %swap3A_127], %gather3A_123 {strides = array<i32>} : memref<64x512xf32, #tpu.memory_space<vmem>>, vector<16xf32>,
        %scan3A_129 = arith.constant 0 : i32
        %scan3A_130 = arith.constant 6 : i32
        %scan3A_131 = arith.addi %scan3A_55, %scan3A_130 : i32
        %broadcast_in_dim3A_132 = arith.constant 0 : i32
        %broadcast_in_dim3A_133 = vector.broadcast %broadcast_in_dim3A_132 : i32 to vector<16xi32>
        %add3A_134 = vector.broadcast %scan3A_131 : i32 to vector<16xi32>
        %add3A_135 = arith.addi %broadcast_in_dim3A_133, %add3A_134 : vector<16xi32>
        %gather3A_136 = tpu.vector_load_idx %arg5[%add3A_135, %get3A_46] : memref<64x1024xf32, #tpu.memory_space<vmem>>[vector<16xi32>, vector<16xi32>], vector<16xf32>,
        %mul3A_137 = arith.constant 16 : i32
        %mul3A_138 = arith.muli %scan3A_42, %mul3A_137 : i32
        %swap3A_139 = arith.index_cast %scan3A_131 : i32 to index
        %swap3A_140 = arith.index_cast %mul3A_138 : i32 to index
        %swap3A_141 = tpu.vector_load %arg7[%swap3A_139, %swap3A_140] {strides = array<i32>} : memref<64x512xf32, #tpu.memory_space<vmem>>, vector<16xf32>,
        tpu.vector_store %arg7[%swap3A_139, %swap3A_140], %gather3A_136 {strides = array<i32>} : memref<64x512xf32, #tpu.memory_space<vmem>>, vector<16xf32>,
        %scan3A_142 = arith.constant 0 : i32
        %scan3A_143 = arith.constant 7 : i32
        %scan3A_144 = arith.addi %scan3A_55, %scan3A_143 : i32
        %broadcast_in_dim3A_145 = arith.constant 0 : i32
        %broadcast_in_dim3A_146 = vector.broadcast %broadcast_in_dim3A_145 : i32 to vector<16xi32>
        %add3A_147 = vector.broadcast %scan3A_144 : i32 to vector<16xi32>
        %add3A_148 = arith.addi %broadcast_in_dim3A_146, %add3A_147 : vector<16xi32>
        %gather3A_149 = tpu.vector_load_idx %arg5[%add3A_148, %get3A_46] : memref<64x1024xf32, #tpu.memory_space<vmem>>[vector<16xi32>, vector<16xi32>], vector<16xf32>,
        %mul3A_150 = arith.constant 16 : i32
        %mul3A_151 = arith.muli %scan3A_42, %mul3A_150 : i32
        %swap3A_152 = arith.index_cast %scan3A_144 : i32 to index
        %swap3A_153 = arith.index_cast %mul3A_151 : i32 to index
        %swap3A_154 = tpu.vector_load %arg7[%swap3A_152, %swap3A_153] {strides = array<i32>} : memref<64x512xf32, #tpu.memory_space<vmem>>, vector<16xf32>,
        tpu.vector_store %arg7[%swap3A_152, %swap3A_153], %gather3A_149 {strides = array<i32>} : memref<64x512xf32, #tpu.memory_space<vmem>>, vector<16xf32>,
        %scan3A_155 = arith.constant 0 : i32
        scf.yield %scan3A_155 : i32
      }
      %scan3A_53 = arith.constant 64 : i32
      %scan3A_54 = arith.constant 0 : i32
      scf.yield %scan3A_54 : i32
    }
    %scan3A_41 = arith.constant 32 : i32
    "tpu.region"() ({
      %run_scoped3A = tpu.sem_alloc : memref<!tpu.dma_semaphore, #tpu.memory_space<semaphore_mem>>
      %dma_start3A = arith.constant 0 : i32
      %dma_start3A_42 = tpu.memref_slice %arg4[%select_n3A, %dma_start3A, %mul3A_32] : memref<16x64x1024xf32, #tpu.memory_space<hbm>> -> memref<1x64x512xf32, #tpu.memory_space<hbm>>
      %dma_start3A_43 = tpu.memref_squeeze %dma_start3A_42 : memref<1x64x512xf32, #tpu.memory_space<hbm>> -> memref<64x512xf32, #tpu.memory_space<hbm>>
      %dma_start3A_44 = arith.constant 0 : i32
      %dma_start3A_45 = tpu.memref_slice %arg4[%select_n3A, %dma_start3A_44, %mul3A_32] : memref<16x64x1024xf32, #tpu.memory_space<hbm>> -> memref<1x64x512xf32, #tpu.memory_space<hbm>>
      %dma_start3A_46 = tpu.memref_squeeze %dma_start3A_45 : memref<1x64x512xf32, #tpu.memory_space<hbm>> -> memref<64x512xf32, #tpu.memory_space<hbm>>
      tpu.enqueue_dma source(%arg7 : memref<64x512xf32, #tpu.memory_space<vmem>>) target(%dma_start3A_46 : memref<64x512xf32, #tpu.memory_space<hbm>>) target_semaphore(%run_scoped3A : memref<!tpu.dma_semaphore, #tpu.memory_space<semaphore_mem>>)
      %dma_wait3A = arith.constant 0 : i32
      %dma_wait3A_47 = tpu.memref_slice %arg4[%select_n3A, %dma_wait3A, %mul3A_32] : memref<16x64x1024xf32, #tpu.memory_space<hbm>> -> memref<1x64x512xf32, #tpu.memory_space<hbm>>
      %dma_wait3A_48 = tpu.memref_squeeze %dma_wait3A_47 : memref<1x64x512xf32, #tpu.memory_space<hbm>> -> memref<64x512xf32, #tpu.memory_space<hbm>>
      %dma_wait3A_49 = arith.constant 0 : i32
      %dma_wait3A_50 = tpu.memref_slice %arg4[%select_n3A, %dma_wait3A_49, %mul3A_32] : memref<16x64x1024xf32, #tpu.memory_space<hbm>> -> memref<1x64x512xf32, #tpu.memory_space<hbm>>
      %dma_wait3A_51 = tpu.memref_squeeze %dma_wait3A_50 : memref<1x64x512xf32, #tpu.memory_space<hbm>> -> memref<64x512xf32, #tpu.memory_space<hbm>>
      tpu.wait_dma2 semaphore(%run_scoped3A : memref<!tpu.dma_semaphore, #tpu.memory_space<semaphore_mem>>) src(%arg7 : memref<64x512xf32, #tpu.memory_space<vmem>>) dst(%dma_wait3A_51 : memref<64x512xf32, #tpu.memory_space<hbm>>)
      tpu.yield
    }) : () -> ()
    return
  }
}

module attributes {stable_mosaic.version = 14 : i64} {
  func.func @_vq_tc_body(%arg0: i32, %arg1: memref<1x64x1024xf32, #tpu.memory_space<vmem>>, %arg2: memref<64x1024xf32, #tpu.memory_space<vmem>>, %arg3: memref<1024xi32, #tpu.memory_space<vmem>>, %arg4: memref<1x1x1xf32, #tpu.memory_space<vmem>>, %arg5: memref<1x1xf32, #tpu.memory_space<vmem>>, %arg6: memref<1024x1xf32, #tpu.memory_space<vmem>>) attributes {dimension_semantics = [#tpu.dimension_semantics<arbitrary>], iteration_bounds = array<i64: 16>, scalar_prefetch = 0 : i64, scratch_operands = 1 : i64, tpu.core_type = #tpu.core_type<tc>, window_params = [{transform_indices = @transform_0, window_bounds = array<i64: 1, 64, 1024>}, {pipeline_mode = #tpu.pipeline_mode<synchronous>, transform_indices = @transform_1, window_bounds = array<i64: 64, 1024>}, {transform_indices = @transform_2, window_bounds = array<i64: 1024>}, {transform_indices = @transform_3, window_bounds = array<i64: 1, 1, 1>}, {pipeline_mode = #tpu.pipeline_mode<synchronous>, transform_indices = @transform_4, window_bounds = array<i64: 1, 1>}]} {
    %get3A = arith.constant 0 : index
    %get3A_0 = arith.constant 0 : index
    %get3A_1 = arith.constant 0 : index
    %get3A_2 = vector.load %arg1[%get3A, %get3A_0, %get3A_1] : memref<1x64x1024xf32, #tpu.memory_space<vmem>>, vector<1x64x1024xf32>
    %get3A_3 = vector.shape_cast %get3A_2 : vector<1x64x1024xf32> to vector<64x1024xf32>
    %get3A_4 = arith.constant 0 : index
    %get3A_5 = arith.constant 0 : index
    %get3A_6 = vector.load %arg2[%get3A_4, %get3A_5] : memref<64x1024xf32, #tpu.memory_space<vmem>>, vector<64x1024xf32>
    %mul3A = arith.mulf %get3A_3, %get3A_3 : vector<64x1024xf32>
    %reduce_sum3A = arith.constant dense<0.000000e+00> : vector<1024xf32>
    %reduce_sum3A_7 = vector.multi_reduction <add>, %mul3A, %reduce_sum3A [0] : vector<64x1024xf32> to vector<1024xf32>
    %mul3A_8 = arith.mulf %get3A_6, %get3A_6 : vector<64x1024xf32>
    %reduce_sum3A_9 = arith.constant dense<0.000000e+00> : vector<1024xf32>
    %reduce_sum3A_10 = vector.multi_reduction <add>, %mul3A_8, %reduce_sum3A_9 [0] : vector<64x1024xf32> to vector<1024xf32>
    %dot_general3A = arith.constant dense<0.000000e+00> : vector<1024x1024xf32>
    %dot_general3A_11 = tpu.matmul %get3A_6, %get3A_3, %dot_general3A {dimension_numbers = #tpu.dot_dimension_numbers<[0], [0], [1], [1], [0, 1, 1, 1], [], []>, transpose_lhs_hint = false} : vector<64x1024xf32>, vector<64x1024xf32>, vector<1024x1024xf32> -> vector<1024x1024xf32>
    %mul3A_12 = arith.constant 2.000000e+00 : f32
    %mul3A_13 = vector.broadcast %mul3A_12 : f32 to vector<1024x1024xf32>
    %mul3A_14 = arith.mulf %mul3A_13, %dot_general3A_11 : vector<1024x1024xf32>
    %broadcast_in_dim3A = vector.shape_cast %reduce_sum3A_7 : vector<1024xf32> to vector<1x1024xf32>
    %sub3A = vector.broadcast %broadcast_in_dim3A : vector<1x1024xf32> to vector<1024x1024xf32>
    %sub3A_15 = arith.subf %mul3A_14, %sub3A : vector<1024x1024xf32>
    %broadcast_in_dim3A_16 = vector.shape_cast %reduce_sum3A_10 : vector<1024xf32> to vector<1024x1xf32>
    %sub3A_17 = vector.broadcast %broadcast_in_dim3A_16 : vector<1024x1xf32> to vector<1024x1024xf32>
    %sub3A_18 = arith.subf %sub3A_15, %sub3A_17 : vector<1024x1024xf32>
    %reduce_max3A = arith.constant dense<0xFF800000> : vector<1024xf32>
    %reduce_max3A_19 = vector.multi_reduction <maximumf>, %sub3A_18, %reduce_max3A [0] : vector<1024x1024xf32> to vector<1024xf32>
    %argmax3A = tpu.reduce_index %sub3A_18 {axis = 0 : i32, kind = #tpu.reduction_kind<arg_max>} : vector<1024x1024xf32> -> vector<1024xi32>
    %swap3A = arith.constant 0 : index
    %swap3A_20 = vector.load %arg3[%swap3A] : memref<1024xi32, #tpu.memory_space<vmem>>, vector<1024xi32>
    tpu.vector_store %arg3[%swap3A], %argmax3A {strides = array<i32>} : memref<1024xi32, #tpu.memory_space<vmem>>, vector<1024xi32>,
    %reshape3A = vector.shape_cast %reduce_max3A_19 : vector<1024xf32> to vector<1x1024xf32>
    %neg3A = arith.constant 0.000000e+00 : f32
    %neg3A_21 = vector.broadcast %neg3A : f32 to vector<1x1024xf32>
    %neg3A_22 = arith.subf %neg3A_21, %reshape3A : vector<1x1024xf32>
    %reduce_sum3A_23 = arith.constant dense<0.000000e+00> : vector<1xf32>
    %reduce_sum3A_24 = vector.multi_reduction <add>, %neg3A_22, %reduce_sum3A_23 [1] : vector<1x1024xf32> to vector<1xf32>
    %broadcast_in_dim3A_25 = vector.shape_cast %reduce_sum3A_24 : vector<1xf32> to vector<1x1xf32>
    %mul3A_26 = arith.constant 1.52587891E-5 : f32
    %mul3A_27 = vector.broadcast %mul3A_26 : f32 to vector<1x1xf32>
    %mul3A_28 = arith.mulf %broadcast_in_dim3A_25, %mul3A_27 : vector<1x1xf32>
    %swap3A_29 = arith.constant 0 : index
    %swap3A_30 = arith.constant 0 : index
    %swap3A_31 = arith.constant 0 : index
    %swap3A_32 = vector.load %arg4[%swap3A_29, %swap3A_30, %swap3A_31] : memref<1x1x1xf32, #tpu.memory_space<vmem>>, vector<1x1x1xf32>
    %swap3A_33 = vector.shape_cast %swap3A_32 : vector<1x1x1xf32> to vector<1x1xf32>
    %swap3A_34 = vector.shape_cast %mul3A_28 : vector<1x1xf32> to vector<1x1x1xf32>
    tpu.vector_store %arg4[%swap3A_29, %swap3A_30, %swap3A_31], %swap3A_34 {strides = array<i32>} : memref<1x1x1xf32, #tpu.memory_space<vmem>>, vector<1x1x1xf32>,
    %broadcast_in_dim3A_35 = vector.shape_cast %reduce_max3A_19 : vector<1024xf32> to vector<1x1024xf32>
    %eq3A = vector.broadcast %broadcast_in_dim3A_35 : vector<1x1024xf32> to vector<1024x1024xf32>
    %eq3A_36 = arith.cmpf oeq, %sub3A_18, %eq3A : vector<1024x1024xf32>
    %convert_element_type3A = arith.extui %eq3A_36 : vector<1024x1024xi1> to vector<1024x1024xi32>
    %convert_element_type3A_37 = arith.sitofp %convert_element_type3A : vector<1024x1024xi32> to vector<1024x1024xf32>
    %broadcast_in_dim3A_38 = arith.constant 1.000000e+00 : f32
    %broadcast_in_dim3A_39 = vector.broadcast %broadcast_in_dim3A_38 : f32 to vector<1024x1xf32>
    %dot_general3A_40 = arith.constant dense<0.000000e+00> : vector<1024x1xf32>
    %dot_general3A_41 = tpu.matmul %convert_element_type3A_37, %broadcast_in_dim3A_39, %dot_general3A_40 {dimension_numbers = #tpu.dot_dimension_numbers<[1], [0], [0], [1], [0, 0, 1, 1], [], []>, transpose_lhs_hint = false} : vector<1024x1024xf32>, vector<1024x1xf32>, vector<1024x1xf32> -> vector<1024x1xf32>
    %eq3A_42 = arith.constant 0 : i32
    %eq3A_43 = arith.cmpi eq, %arg0, %eq3A_42 : i32
    %convert_element_type3A_44 = arith.extui %eq3A_43 : i1 to i32
    %cond3A = arith.constant 0 : i32
    %cond3A_45 = arith.cmpi ne, %convert_element_type3A_44, %cond3A : i32
    scf.if %cond3A_45 {
      %swap3A_55 = arith.constant 0 : index
      %swap3A_56 = arith.constant 0 : index
      %swap3A_57 = vector.load %arg6[%swap3A_55, %swap3A_56] : memref<1024x1xf32, #tpu.memory_space<vmem>>, vector<1024x1xf32>
      tpu.vector_store %arg6[%swap3A_55, %swap3A_56], %dot_general3A_41 {strides = array<i32>} : memref<1024x1xf32, #tpu.memory_space<vmem>>, vector<1024x1xf32>,
    } else {
    }
    %gt3A = arith.constant 0 : i32
    %gt3A_46 = arith.cmpi sgt, %arg0, %gt3A : i32
    %convert_element_type3A_47 = arith.extui %gt3A_46 : i1 to i32
    %cond3A_48 = arith.constant 0 : i32
    %cond3A_49 = arith.cmpi ne, %convert_element_type3A_47, %cond3A_48 : i32
    scf.if %cond3A_49 {
      %get3A_55 = arith.constant 0 : index
      %get3A_56 = arith.constant 0 : index
      %get3A_57 = vector.load %arg6[%get3A_55, %get3A_56] : memref<1024x1xf32, #tpu.memory_space<vmem>>, vector<1024x1xf32>
      %add3A = arith.addf %get3A_57, %dot_general3A_41 : vector<1024x1xf32>
      %swap3A_58 = arith.constant 0 : index
      %swap3A_59 = arith.constant 0 : index
      %swap3A_60 = vector.load %arg6[%swap3A_58, %swap3A_59] : memref<1024x1xf32, #tpu.memory_space<vmem>>, vector<1024x1xf32>
      tpu.vector_store %arg6[%swap3A_58, %swap3A_59], %add3A {strides = array<i32>} : memref<1024x1xf32, #tpu.memory_space<vmem>>, vector<1024x1xf32>,
    } else {
    }
    %eq3A_50 = arith.constant 15 : i32
    %eq3A_51 = arith.cmpi eq, %arg0, %eq3A_50 : i32
    %convert_element_type3A_52 = arith.extui %eq3A_51 : i1 to i32
    %cond3A_53 = arith.constant 0 : i32
    %cond3A_54 = arith.cmpi ne, %convert_element_type3A_52, %cond3A_53 : i32
    scf.if %cond3A_54 {
      %get3A_55 = arith.constant 0 : index
      %get3A_56 = arith.constant 0 : index
      %get3A_57 = vector.load %arg6[%get3A_55, %get3A_56] : memref<1024x1xf32, #tpu.memory_space<vmem>>, vector<1024x1xf32>
      %mul3A_58 = arith.constant 6.10351563E-5 : f32
      %mul3A_59 = vector.broadcast %mul3A_58 : f32 to vector<1024x1xf32>
      %mul3A_60 = arith.mulf %get3A_57, %mul3A_59 : vector<1024x1xf32>
      %add3A = arith.constant 1.000000e-10 : f32
      %add3A_61 = vector.broadcast %add3A : f32 to vector<1024x1xf32>
      %add3A_62 = arith.addf %mul3A_60, %add3A_61 : vector<1024x1xf32>
      %log3A = math.log %add3A_62 : vector<1024x1xf32>
      %mul3A_63 = arith.mulf %mul3A_60, %log3A : vector<1024x1xf32>
      %reduce_sum3A_64 = arith.constant dense<0.000000e+00> : vector<1xf32>
      %reduce_sum3A_65 = vector.multi_reduction <add>, %mul3A_63, %reduce_sum3A_64 [0] : vector<1024x1xf32> to vector<1xf32>
      %broadcast_in_dim3A_66 = vector.shape_cast %reduce_sum3A_65 : vector<1xf32> to vector<1x1xf32>
      %neg3A_67 = arith.constant 0.000000e+00 : f32
      %neg3A_68 = vector.broadcast %neg3A_67 : f32 to vector<1x1xf32>
      %neg3A_69 = arith.subf %neg3A_68, %broadcast_in_dim3A_66 : vector<1x1xf32>
      %exp3A = math.exp %neg3A_69 : vector<1x1xf32>
      %swap3A_70 = arith.constant 0 : index
      %swap3A_71 = arith.constant 0 : index
      %swap3A_72 = vector.load %arg5[%swap3A_70, %swap3A_71] : memref<1x1xf32, #tpu.memory_space<vmem>>, vector<1x1xf32>
      tpu.vector_store %arg5[%swap3A_70, %swap3A_71], %exp3A {strides = array<i32>} : memref<1x1xf32, #tpu.memory_space<vmem>>, vector<1x1xf32>,
    } else {
    }
    return
  }
  func.func @transform_0(%arg0: i32) -> (i32, i32, i32) {
    %c0_i32 = arith.constant 0 : i32
    %c0_i32_0 = arith.constant 0 : i32
    %c0_i32_1 = arith.constant 0 : i32
    return %arg0, %c0_i32, %c0_i32_0 : i32, i32, i32
  }
  func.func @transform_1(%arg0: i32) -> (i32, i32) {
    %c0_i32 = arith.constant 0 : i32
    %c0_i32_0 = arith.constant 0 : i32
    %c0_i32_1 = arith.constant 0 : i32
    return %c0_i32, %c0_i32_0 : i32, i32
  }
  func.func @transform_2(%arg0: i32) -> i32 {
    %c0_i32 = arith.constant 0 : i32
    return %arg0 : i32
  }
  func.func @transform_3(%arg0: i32) -> (i32, i32, i32) {
    %c0_i32 = arith.constant 0 : i32
    %c0_i32_0 = arith.constant 0 : i32
    %c0_i32_1 = arith.constant 0 : i32
    return %arg0, %c0_i32, %c0_i32_0 : i32, i32, i32
  }
  func.func @transform_4(%arg0: i32) -> (i32, i32) {
    %c0_i32 = arith.constant 0 : i32
    %c0_i32_0 = arith.constant 0 : i32
    %c0_i32_1 = arith.constant 0 : i32
    return %c0_i32, %c0_i32_0 : i32, i32
  }
}

</mosaic_0001>

<sc_bundles>
// kernel: kernel.4.cloned.1.call-start
scs
__scs_entry_jumppad:
0x0: {  	(pc) =	sbr.rel $0x88, $3  }
0x1: {  	(tag) =	ssettag $0x0;
	lr =	simm.s32 $0x1  }
0x2: {  	[smem:$0x3F9F] =	sst lr;
	_ =	strace $0xD0000000  }
0x3: {  	_ = 	snop  }
0x4: {  	_ = 	snop  }
0x5: {  	_ = 	snop  }
0x6: {  	_ = 	snop  }
0x7: {  	_ = 	snop  }
__scs_overlays_trampoline_lowered:
0x8: {  	[smem:$0x3FAE] =	sst s0  }
0x9: {  	[smem:$0x3FAF] =	sst s1  }
0xa: {  	[smem:$0x3FB0] =	sst s2  }
0xb: {  	[smem:$0x3FB1] =	sst s3  }
0xc: {  	[smem:$0x3FB2] =	sst s4  }
0xd: {  	[smem:$0x3FB3] =	sst s5  }
0xe: {  	[smem:$0x3FB4] =	sst s6  }
0xf: {  	[smem:$0x3FB5] =	sst s7  }
0x10: {  	[smem:$0x3FB6] =	sst s8  }
0x11: {  	[smem:$0x3FB7] =	sst s9;
	s0 =	simm.s32 @!p0 $0x0  }
0x12: {  	s1 =	sld [smem:$0x3F9D];
	s0 =	simm.s32 @p0 $0x1  }
0x13: {  	[smem:$0x3FB8] =	sst s0;
	s0 =	simm.s32 @!p1 $0x0  }
0x14: {  	s2 =	sld [smem:$0x3F9C];
	s0 =	simm.s32 @p1 $0x1  }
0x15: {  	[smem:$0x3FB9] =	sst s0;
	s0 =	simm.s32 @!p2 $0x0  }
0x16: {  	s3 =	sld [smem:$0x3FDB];
	s0 =	simm.s32 @p2 $0x1  }
0x17: {  	s4 =	simm.s32 $0x1BF5;
	[smem:$0x3FBB] =	sst s0  }
0x18: {  	s0 =	sld [smem:$0x3F9E];
	_ =	swait.ge [sflag:s4], $0x0  }
0x19: {  	s7 =	sld [smem:$0x3F9F]  }
0x1a: {  	s8 =	sadd.s32 $0xFFFFE003, lr  }
0x1b: {  	s9 =	sadd.s32 $0xFFFFFEF7, lr;
	s5 =	simm.s32 $0xFFFFFFFF;
	p2 =	slt.u32 s8, $0xFFFFF086  }
0x1c: {  	p1 =	slt.u32 s9, $0xF7A;
	s5 =	simm.s32 @!p2 $0x0  }
0x1d: {  	s5 =	simm.s32 @p1 $0x1;
	p0 =	seq.s32 s7, s2  }
0x1e: {  	s7 =	smul.u32 @!p0 $0xF7A, s2;
	p2 =	seq.s32 @!p0 s5, $0x0  }
0x1f: {  	s9 =	smul.u32 $0xF7A, s1;
	s8 =	simm.s32 @!p0 $0x1BF5;
	p2 =	por !p2, p0  }
0x20: {  	[sflag:s8] =	ssyncset.s32 @!p0 $0xFFFFF086;
	s6 =	sadd.s32 @!p0 s3, s7;
	s7 =	simm.s32 @!p0 $0x108  }
0x21: {  	s3 =	sadd.s32 s3, s9;
	s6 =	sadd.s32 @!p0 $0x88, s6;
	s7 =	simm.s32 @p2 $0x1082  }
0x22: {  	[simem:s7], [sflag:s8] =	dma.local @!p0 [hbm:s6], $0xF7A  }
0x23: {  	s9 =	sor.u32 $0xD0000000, s2;
	s6 =	simm.s32 $0x108;
	_ =	swait.ge @!p0 [sflag:s8], $0x0  }
0x24: {  	s3 =	sadd.s32 $0x88, s3;
	s6 =	simm.s32 @!p1 $0x1082;
	[sflag:s4] =	ssyncset.s32 $0xFFFFF086  }
0x25: {  	[simem:s6], [sflag:s4] =	dma.local [hbm:s3], $0xF7A  }
0x26: {  	[smem:$0x3F9F] =	sst s1;
	(tag) =	ssettag s2;
	_ =	strace s9  }
0x27: {  	s1 =	sld [smem:$0x3FAF]  }
0x28: {  	s2 =	sld [smem:$0x3FB0]  }
0x29: {  	s4 =	sld [smem:$0x3FB2]  }
0x2a: {  	p0 =	seq.s32 s5, $0x0;
	s5 =	sld [smem:$0x3FB3]  }
0x2b: {  	s6 =	sld [smem:$0x3FB4]  }
0x2c: {  	s7 =	sld [smem:$0x3FB5]  }
0x2d: {  	s3 =	simm.s32 $0x108;
	s8 =	sld [smem:$0x3FB6]  }
0x2e: {  	s3 =	simm.s32 @!p0 $0x1082;
	s9 =	sld [smem:$0x3FB7]  }
0x2f: {  	lr =	sadd.s32 s0, s3;
	s0 =	sld [smem:$0x3FAE]  }
0x30: {  	s3 =	sld [smem:$0x3FB1]  }
0x31: {  	[smem:$0x3FBA] =	sst s10  }
0x32: {  	s10 =	sld [smem:$0x3FB8];
	_ =	sdelay $0x3  }
0x33: {  	p0 =	seq.s32 s10, $0x1;
	s10 =	sld [smem:$0x3FBA];
	_ =	sdelay $0x3  }
0x34: {  	[smem:$0x3FBA] =	sst s10  }
0x35: {  	s10 =	sld [smem:$0x3FB9];
	_ =	sdelay $0x3  }
0x36: {  	p1 =	seq.s32 s10, $0x1;
	s10 =	sld [smem:$0x3FBA];
	_ =	sdelay $0x3  }
0x37: {  	[smem:$0x3FBA] =	sst s10  }
0x38: {  	s10 =	sld [smem:$0x3FBB]  }
0x39: {  	_ = 	snop;
	(pc) =	sbr.ind lr, $3  }
0x3a: {  	_ = 	snop  }
0x3b: {  	_ = 	snop  }
0x3c: {  	p2 =	seq.s32 s10, $0x1;
	s10 =	sld [smem:$0x3FBA]  }
0x3d: {  	_ =	shalt  }
0x3e: {  	_ =	shalt  }
0x3f: {  	_ =	shalt  }
0x40: {  	_ =	shalt  }
0x41: {  	_ =	shalt  }
0x42: {  	_ =	shalt  }
0x43: {  	_ =	shalt  }
0x44: {  	_ =	shalt  }
0x45: {  	_ =	shalt  }
0x46: {  	_ =	shalt  }
0x47: {  	_ =	shalt  }
0x48: {  	_ =	shalt  }
0x49: {  	_ =	shalt  }
0x4a: {  	_ =	shalt  }
0x4b: {  	_ =	shalt  }
0x4c: {  	_ =	shalt  }
0x4d: {  	_ =	shalt  }
0x4e: {  	_ =	shalt  }
0x4f: {  	_ =	shalt  }
0x50: {  	_ =	shalt  }
0x51: {  	_ =	shalt  }
0x52: {  	_ =	shalt  }
0x53: {  	_ =	shalt  }
0x54: {  	_ =	shalt  }
0x55: {  	_ =	shalt  }
0x56: {  	_ =	shalt  }
0x57: {  	_ =	shalt  }
0x58: {  	_ =	shalt  }
0x59: {  	_ =	shalt  }
0x5a: {  	_ =	shalt  }
0x5b: {  	_ =	shalt  }
0x5c: {  	_ =	shalt  }
0x5d: {  	_ =	shalt  }
0x5e: {  	_ =	shalt  }
0x5f: {  	_ =	shalt  }
0x60: {  	_ =	shalt  }
0x61: {  	_ =	shalt  }
0x62: {  	_ =	shalt  }
0x63: {  	_ =	shalt  }
0x64: {  	_ =	shalt  }
0x65: {  	_ =	shalt  }
0x66: {  	_ =	shalt  }
0x67: {  	_ =	shalt  }
0x68: {  	_ =	shalt  }
0x69: {  	_ =	shalt  }
0x6a: {  	_ =	shalt  }
0x6b: {  	_ =	shalt  }
0x6c: {  	_ =	shalt  }
0x6d: {  	_ =	shalt  }
0x6e: {  	_ =	shalt  }
0x6f: {  	_ =	shalt  }
0x70: {  	_ =	shalt  }
0x71: {  	_ =	shalt  }
0x72: {  	_ =	shalt  }
0x73: {  	_ =	shalt  }
0x74: {  	_ =	shalt  }
0x75: {  	_ =	shalt  }
0x76: {  	_ =	shalt  }
0x77: {  	_ =	shalt  }
0x78: {  	_ =	shalt  }
0x79: {  	_ =	shalt  }
0x7a: {  	_ =	shalt  }
0x7b: {  	_ =	shalt  }
0x7c: {  	_ =	shalt  }
0x7d: {  	_ =	shalt  }
0x7e: {  	_ =	shalt  }
0x7f: {  	_ =	shalt  }
0x80: {  	_ =	shalt  }
0x81: {  	_ =	shalt  }
0x82: {  	_ =	shalt  }
0x83: {  	_ =	shalt  }
0x84: {  	_ =	shalt  }
0x85: {  	_ =	shalt  }
0x86: {  	_ =	shalt  }
0x87: {  	_ =	shalt  }
.Lfunc_end0:
.L_simem_size_0:
called_computation_lowered:
.L_overlay_start_0:
0x88: {  	s2 =	sld [smem:$0x3FD9]  }
0x89: {  	s3 =	sld [smem:$0x3FFE];
	_ =	sdelay $0x1  }
0x8a: {  	s1 =	srdreg.scid  }
0x8b: {  	s0 =	sand.u32 $0x1, s1  }
0x8c: {  	s14 =	sshll.u32 s0, $0xA;
	s2 =	sadd.s32 s3, s2  }
0x8d: {  	s2 =	sadd.s32 s2, s14  }
0x8e: {  	[smem:$0x3FC6] =	sst s2  }
0x8f: {  	_ = 	snop  }
0x90: {  	s2 =	sld [smem:$0x3FD0];
	_ =	sdelay $0x2  }
0x91: {  	s15 =	simm.s32 $0xA;
	s4 =	simm.s32 $0x10  }
0x92: {  	[smem:s4], [sflag:s15] =	dma.local [hbm:s2], $0x1  }
0x93: {  	_ =	swait.eq [sflag:s15], $0x1  }
0x94: {  	[sflag:s15] =	ssyncset.done $0x0  }
0x95: {  	[sflag:s15] =	ssyncadd.s32 $0xFFFFFFFF  }
0x96: {  	s16 =	sld [smem:$0x10];
	(tm) =	ssettm $0x1  }
0x97: {  	s17 =	sld [smem:$0x3FFB];
	_ =	sdelay $0x3  }
0x98: {  	_ =	strace s17  }
0x99: {  	s3 =	sld [smem:$0x3FFC];
	_ =	sdelay $0x3  }
0x9a: {  	_ =	strace s3  }
0x9b: {  	s3 =	sld [smem:$0x3FFD];
	_ =	sdelay $0x3  }
0x9c: {  	_ =	strace s3  }
0x9d: {  	_ =	strace $0x8FFFFFFF  }
0x9e: {  	s18 =	sld [smem:$0x3FDB];
	_ =	sdelay $0x1  }
0x9f: {  	s19 =	simm.s32 $_scs_section_size  }
0xa0: {  	s5 =	simm.s32 $_size__tile_overlayer_lowered;
	s6 =	simm.s32 $_tile_overlayer_lowered  }
0xa1: {  	s22 =	simm.s32 $0x1BFF;
	s21 =	sshll.u32 s6, $0x1;
	s3 =	sadd.s32 s19, s18  }
0xa2: {  	s7 =	simm.s32 $0x0;
	s20 =	sshll.u32 s5, $0x1;
	s5 =	sadd.s32 s21, s3  }
0xa3: {  	[timem:s7], [sflag:s22] =	dma.local [hbm:s5], s20  }
0xa4: {  	_ =	swait.ge [sflag:s22], s20  }
0xa5: {  	s4 =	ssub.s32 $0x0, s20;
	[sflag:s22] =	ssyncset.done $0x0  }
0xa6: {  	[sflag:s22] =	ssyncadd.s32 s4;
	_ =	sdelay $0x1  }
0xa7: {  	s23 =	simm.s32 $0x1B8B  }
0xa8: {  	_ =	swait.ge [sflag:s23], $0x1  }
0xa9: {  	[sflag:s23] =	ssyncset.done $0x0  }
0xaa: {  	s25 =	simm.s32 $0x1B8E;
	s24 =	sld [smem:$0x3FFE];
	[sflag:s23] =	ssyncadd.s32 $0xFFFFFFFF  }
0xab: {  	s26 =	simm.s32 $execute0_lowered;
	[smem:$0x3FD2] =	sst s25  }
0xac: {  	s5 =	sshll.u32 s26, $0x1;
	_ =	strace $0x80000046;
	[dreg:$0x1] =	wrdreg $0xFFFFFFFF  }
0xad: {  	s28 =	simm.s32 $_size_execute0_lowered;
	s3 =	sadd.s32 s3, s5;
	[dreg:$0x0] =	wrdreg $0x0  }
0xae: {  	s5 =	sshll.u32 s28, $0x1;
	[dreg:$0x2] =	wrdreg s3  }
0xaf: {  	[dreg:$0x3] =	wrdreg s5  }
0xb0: {  	[dreg:$0x4] =	wrdreg $0xC0  }
0xb1: {  	_ =	task [dreg:s7], $0x5FFFF  }
0xb2: {  	[dreg:$0x1] =	wrdreg $0xFFFFFFFF  }
0xb3: {  	[dreg:$0x0] =	wrdreg $0x60  }
0xb4: {  	[dreg:$0x2] =	wrdreg s24  }
0xb5: {  	[dreg:$0x3] =	wrdreg s16  }
0xb6: {  	[dreg:$0x4] =	wrdreg $0x9  }
0xb7: {  	_ =	task.clear_ibuf [dreg:s7], $0x5FFFF;
	_ =	strace $0x90000046  }
0xb8: {  	s29 =	simm.s32 $0x9;
	_ =	strace $0x80000048  }
0xb9: {  	_ =	swait.ge [sflag:s29], $0x1  }
0xba: {  	[sflag:s29] =	ssyncadd.s32 $0xFFFFFFFF  }
0xbb: {  	_ =	strace $0x90000048  }
0xbc: {  	_ =	sfence  }
0xbd: {  	s30 =	sld [smem:$0x0];
	_ =	sdelay $0x2  }
0xbe: {  	s31 =	sshll.u32 s1, $0xD;
	s1 =	sshrl.u32 s1, $0x2  }
0xbf: {  	s3 =	sand.u32 $0x4000, s31;
	s1 =	sadd.s32 s1, s30  }
0xc0: {  	s0 =	sor.u32 s3, s0;
	s1 =	sshll.u32 s1, $0x11  }
0xc1: {  	s0 =	sor.u32 s1, s0  }
0xc2: {  	s0 =	sadd.s32 $0x8F2B, s0  }
0xc3: {  	[sflag:s0] =	ssyncadd.remote.s32 $0x1  }
0xc4: {  	_ =	sfence.sel $0xFFFF  }
0xc5: {  	[dreg:$0x0] =	wrdreg $0xFFFFFFFF;
	(pc) =	sbr.abs _section_cstart, $3  }
0xc6: {  	[dreg:$0x1] =	wrdreg $0xFFFFFFFF  }
0xc7: {  	_ =	task.clear_ibuf [dreg:s7], $0x2FFFF;
	_ =	strace $0x9FFFFFFF  }
0xc8: {  	(tm) =	ssettm $0x7FFFFFFF  }
0xc9: {  	_ =	shalt  }
tec
execute0_lowered:
.L_overlay_start_1:
0x0: {  	(tag) =	ssettag $0x1  }
0x1: {  	s1 =	srdreg.scid  }
0x2: {  	s0 =	stileid.u32;
	s4 =	sand.u32 $0x1, s1  }
0x3: {  	s5 =	rddreg [dreg:$0x0];
	s3 =	simm.s32 $0x1;
	s1 =	sor.u32 s4, s0  }
0x4: {  	s6 =	rddreg [dreg:$0x1];
	p1 =	seq.s32 s4, $0x1;
	p0 =	seq.s32 s1, $0x0  }
0x5: {  	s2 =	simm.s32 $0x0;
	s11 =	simm.s32 $0x400;
	p0 =	por !p0, !p1  }
0x6: {  	s12 =	simm.s32 $0x10200;
	s13 =	simm.s32 $0x0;
	p0 =	por !p0, !p0  }
0x7: {  	[smem:$0x7FF] =	sst s2;
	s8 =	sshll.u32 s4, $0x9;
	s3 =	simm.s32 @!p0 $0x0  }
0x8: {  	s10 =	ssub.s32 $0x2, s4;
	s4 =	sadd.s32 $0x600, s5;
	s7 =	ssub.s32 s0, s3  }
0x9: {  	s1 =	rddreg [dreg:$0x2];
	_ =	strace $0x80000047;
	s9 =	sshll.u32 s7, $0xA  }
0xa: {  	s31 =	sshrl.u32 s10, $0x1;
	s29 =	sshll.u32 s7, $0x10;
	s9 =	sor.u32 s8, s9  }
0xb: {  	s3 =	simm.s32 $0x1;
	s8 =	sor.u32 s8, s29;
	s9 =	sshrl.u32 s9, $0x3  }
0xc: {  	s8 =	sshrl.u32 s8, $0x3;
	s30 =	sadd.s32 s9, s5;
	s9 =	ssub.s32 s10, s31  }
0xd: {  	s6 =	sadd.s32 s6, s8;
	s8 =	simm.s32 $0x10000;
	s10 =	simm.s32 $0x200  }
0xe: {  	s5 =	sadd.s32 $0x2600, s30;
	s7 =	smax.u32 s9, $0x1;
	s9 =	simm.s32 $0x2  }
.LBB2_1:
0xf: {  	[tilespmem:s2], [sflag:$0x1] =	stream.linear.gather [hbm4b:s4+s2], $0x10000, $0x38;
	[tilespmem:$0x18200] =	vst v63  }
0x10: {  	_ = 	snop  }
0x11: {  	[tilespmem:s8], [sflag:$0x2] =	stream.linear.gather [hbm4b:s5+s2], $0x200, $0x38;
	[tilespmem:$0x18200] =	vst v63  }
0x12: {  	_ =	swait.ge [sflag:s9], $0x200  }
0x13: {  	[sflag:s9] =	ssyncset.done $0x0  }
0x14: {  	[sflag:s9] =	ssyncadd.s32 $0xFFFFFE00  }
0x15: {  	_ =	swait.ge [sflag:s3], $0x10000  }
0x16: {  	[sflag:s3] =	ssyncset.done $0x0  }
0x17: {  	s14 =	simm.s32 $0x10A00;
	s15 =	simm.s32 $0x0;
	[sflag:s3] =	ssyncadd.s32 $0xFFFF0000  }
.LBB2_2:
0x18: {  	s16 =	sshll.u32 s15, $0x4  }
0x19: {  	v0 =	vld [tilespmem:s16+$0x10000];
	_ =	sdelay $0x3  }
0x1a: {  	s23 =	simm.s32 $0x0  }
0x1b: {  	v1 =	vadd.s32 s23, v0;
	_ =	sdelay $0x4  }
0x1c: {  	s24 =	simm.s32 $0x400;
	v1 =	vld.idx.msk [tilespmem:v1+s2+$0x0], $0xffff  }
0x1d: {  	v2 =	vadd.s32 s24, v0;
	_ =	sdelay $0x3  }
0x1e: {  	[tilespmem:s14+$0xFFFFF800] =	vst v1  }
0x1f: {  	s25 =	simm.s32 $0x800;
	v1 =	vld.idx.msk [tilespmem:v2+s2+$0x0], $0xffff  }
0x20: {  	v2 =	vadd.s32 s25, v0;
	_ =	sdelay $0x3  }
0x21: {  	[tilespmem:s14+$0xFFFFFA00] =	vst v1  }
0x22: {  	s26 =	simm.s32 $0xC00;
	v1 =	vld.idx.msk [tilespmem:v2+s2+$0x0], $0xffff  }
0x23: {  	v2 =	vadd.s32 s26, v0;
	_ =	sdelay $0x3  }
0x24: {  	[tilespmem:s14+$0xFFFFFC00] =	vst v1  }
0x25: {  	s28 =	simm.s32 $0x1000;
	v1 =	vld.idx.msk [tilespmem:v2+s2+$0x0], $0xffff  }
0x26: {  	v2 =	vadd.s32 s28, v0;
	_ =	sdelay $0x3  }
0x27: {  	[tilespmem:s14+$0xFFFFFE00] =	vst v1  }
0x28: {  	s29 =	simm.s32 $0x1400;
	v1 =	vld.idx.msk [tilespmem:v2+s2+$0x0], $0xffff  }
0x29: {  	v2 =	vadd.s32 s29, v0;
	_ =	sdelay $0x3  }
0x2a: {  	[tilespmem:s14+$0x0] =	vst v1  }
0x2b: {  	s30 =	simm.s32 $0x1800;
	v1 =	vld.idx.msk [tilespmem:v2+s2+$0x0], $0xffff  }
0x2c: {  	v2 =	vadd.s32 s30, v0;
	_ =	sdelay $0x3  }
0x2d: {  	[tilespmem:s14+$0x200] =	vst v1  }
0x2e: {  	s31 =	simm.s32 $0x1C00;
	v1 =	vld.idx.msk [tilespmem:v2+s2+$0x0], $0xffff  }
0x2f: {  	v2 =	vadd.s32 s31, v0;
	_ =	sdelay $0x3  }
0x30: {  	[tilespmem:s14+$0x400] =	vst v1  }
0x31: {  	s18 =	simm.s32 $0x10;
	s17 =	smov.u32 s14;
	s16 =	simm.s32 $0x2000;
	v1 =	vld.idx.msk [tilespmem:v2+s2+$0x0], $0xffff  }
.LBB2_3:
0x32: {  	p0 =	slt.u32 s18, $0x38;
	v2 =	vadd.s32 s16, v0;
	_ =	sdelay $0x3  }
0x33: {  	[tilespmem:s17+$0x600] =	vst v1  }
0x34: {  	v1 =	vld.idx.msk [tilespmem:v2+s2+$0x0], $0xffff  }
0x35: {  	s19 =	sadd.s32 $0x400, s16  }
0x36: {  	v2 =	vadd.s32 s19, v0;
	_ =	sdelay $0x2  }
0x37: {  	s17 =	sadd.s32 $0x1000, s17  }
0x38: {  	[tilespmem:s17+$0xFFFFF800] =	vst v1  }
0x39: {  	v1 =	vld.idx.msk [tilespmem:v2+s2+$0x0], $0xffff  }
0x3a: {  	s19 =	sadd.s32 $0x800, s16  }
0x3b: {  	v2 =	vadd.s32 s19, v0;
	_ =	sdelay $0x3  }
0x3c: {  	[tilespmem:s17+$0xFFFFFA00] =	vst v1  }
0x3d: {  	v1 =	vld.idx.msk [tilespmem:v2+s2+$0x0], $0xffff  }
0x3e: {  	s19 =	sadd.s32 $0xC00, s16  }
0x3f: {  	v2 =	vadd.s32 s19, v0;
	_ =	sdelay $0x3  }
0x40: {  	[tilespmem:s17+$0xFFFFFC00] =	vst v1  }
0x41: {  	v1 =	vld.idx.msk [tilespmem:v2+s2+$0x0], $0xffff  }
0x42: {  	s19 =	sadd.s32 $0x1000, s16  }
0x43: {  	v2 =	vadd.s32 s19, v0;
	_ =	sdelay $0x3  }
0x44: {  	[tilespmem:s17+$0xFFFFFE00] =	vst v1  }
0x45: {  	v1 =	vld.idx.msk [tilespmem:v2+s2+$0x0], $0xffff  }
0x46: {  	s19 =	sadd.s32 $0x1400, s16  }
0x47: {  	v2 =	vadd.s32 s19, v0;
	_ =	sdelay $0x3  }
0x48: {  	[tilespmem:s17+$0x0] =	vst v1  }
0x49: {  	v1 =	vld.idx.msk [tilespmem:v2+s2+$0x0], $0xffff  }
0x4a: {  	s19 =	sadd.s32 $0x1800, s16  }
0x4b: {  	v2 =	vadd.s32 s19, v0;
	_ =	sdelay $0x3  }
0x4c: {  	[tilespmem:s17+$0x200] =	vst v1  }
0x4d: {  	v1 =	vld.idx.msk [tilespmem:v2+s2+$0x0], $0xffff  }
0x4e: {  	s16 =	sadd.s32 $0x1C00, s16  }
0x4f: {  	v2 =	vadd.s32 s16, v0;
	_ =	sdelay $0x1  }
.Ltmp0:
0x50: {  	(pc) =	sbr.rel @p0 .LBB2_3-.Ltmp0, $4  }
0x51: {  	_ = 	snop  }
0x52: {  	[tilespmem:s17+$0x400] =	vst v1  }
0x53: {  	v1 =	vld.idx.msk [tilespmem:v2+s2+$0x0], $0xffff  }
0x54: {  	s16 =	sshll.u32 s18, $0xA;
	s18 =	sadd.s32 $0x8, s18  }
0x55: {  	v2 =	vadd.s32 s16, v0;
	_ =	sdelay $0x3  }
0x56: {  	[tilespmem:s17+$0x600] =	vst v1  }
0x57: {  	s18 =	sadd.s32 $0x400, s16;
	v1 =	vld.idx.msk [tilespmem:v2+s2+$0x0], $0xffff  }
0x58: {  	v57 =	vadd.s32 s18, v0;
	_ =	sdelay $0x2  }
0x59: {  	s24 =	sadd.s32 $0x1000, s17  }
0x5a: {  	[tilespmem:s24+$0xFFFFF800] =	vst v1  }
0x5b: {  	s25 =	sadd.s32 $0x800, s16;
	v1 =	vld.idx.msk [tilespmem:v57+s2+$0x0], $0xffff  }
0x5c: {  	v58 =	vadd.s32 s25, v0;
	_ =	sdelay $0x3  }
0x5d: {  	[tilespmem:s24+$0xFFFFFA00] =	vst v1  }
0x5e: {  	s26 =	sadd.s32 $0xC00, s16;
	v1 =	vld.idx.msk [tilespmem:v58+s2+$0x0], $0xffff  }
0x5f: {  	v59 =	vadd.s32 s26, v0;
	_ =	sdelay $0x3  }
0x60: {  	[tilespmem:s24+$0xFFFFFC00] =	vst v1  }
0x61: {  	s28 =	sadd.s32 $0x1000, s16;
	v1 =	vld.idx.msk [tilespmem:v59+s2+$0x0], $0xffff  }
0x62: {  	v60 =	vadd.s32 s28, v0;
	_ =	sdelay $0x3  }
0x63: {  	[tilespmem:s24+$0xFFFFFE00] =	vst v1  }
0x64: {  	s29 =	sadd.s32 $0x1400, s16;
	v1 =	vld.idx.msk [tilespmem:v60+s2+$0x0], $0xffff  }
0x65: {  	v61 =	vadd.s32 s29, v0;
	_ =	sdelay $0x3  }
0x66: {  	[tilespmem:s24+$0x0] =	vst v1  }
0x67: {  	s30 =	sadd.s32 $0x1800, s16;
	v1 =	vld.idx.msk [tilespmem:v61+s2+$0x0], $0xffff  }
0x68: {  	v62 =	vadd.s32 s30, v0;
	_ =	sdelay $0x3  }
0x69: {  	[tilespmem:s24+$0x200] =	vst v1  }
0x6a: {  	s31 =	sadd.s32 $0x1C00, s16;
	v1 =	vld.idx.msk [tilespmem:v62+s2+$0x0], $0xffff  }
0x6b: {  	v63 =	vadd.s32 s31, v0;
	_ =	sdelay $0x3  }
0x6c: {  	s15 =	sadd.s32 $0x1, s15;
	[tilespmem:s24+$0x400] =	vst v1  }
0x6d: {  	p0 =	sne.s32 s15, $0x20;
	v0 =	vld.idx.msk [tilespmem:v63+s2+$0x0], $0xffff  }
.Ltmp1:
0x6e: {  	_ = 	snop;
	(pc) =	sbr.rel @p0 .LBB2_2-.Ltmp1, $2  }
0x6f: {  	_ =	sdelay $0x2  }
0x70: {  	s14 =	sadd.s32 $0x10, s14;
	[tilespmem:s24+$0x600] =	vst v0  }
0x71: {  	s13 =	sadd.s32 $0x1, s13  }
0x72: {  	p0 =	sne.s32 s13, s7  }
.Ltmp2:
0x73: {  	_ = 	snop;
	(pc) =	sbr.rel @p0 .LBB2_1-.Ltmp2, $4  }
0x74: {  	[hbm4b:s6+s10] =	stream.strided.scatter [tilespmem:s12], [sflag:$0x2], $0x8000, s11, s10, $0x38;
	[tilespmem:$0x18200] =	vst v63  }
0x75: {  	_ =	swait.ge [sflag:s9], $0x8000  }
0x76: {  	[sflag:s9] =	ssyncset.done $0x0  }
0x77: {  	[sflag:s9] =	ssyncadd.s32 $0xFFFF8000  }
0x78: {  	_ =	sfence.sel $0x180000  }
0x79: {  	[bflag:$0x0] =	sbarrier.arrive $0xFFFF  }
0x7a: {  	p0 =	sne.s32 s0, $0x0;
	_ =	strace $0x90000047  }
0x7b: {  	s0 =	sadd.s32 @!p0 $0x100000, s1;
	[bflag:$0x2] =	sbarrier.arrive $0xFFFF  }
0x7c: {  	[sflag:s0] =	ssyncadd.tile.s32 @!p0 $0x1;
	_ =	shalt  }
.Lfunc_end2:
_tile_overlayer_lowered:
.L_overlay_start_2:
0x7d: {  	(tag) =	ssettag $0x2  }
0x7e: {  	s0 =	rddreg [dreg:$0x0];
	s2 =	stileid.u32  }
0x7f: {  	s1 =	rddreg [dreg:$0x1];
	p0 =	sne.s32 s2, $0x0  }
0x80: {  	s3 =	rddreg [dreg:$0x2];
	[bflag:$0x3] =	sbarrier.arrive $0xFFFF;
	s2 =	simm.s32 @!p0 $0x1C02  }
0x81: {  	[timem:s3], [sflag:s2] =	dma.local @!p0 [hbm:s0], s1  }
0x82: {  	s0 =	simm.s32 @!p0 $0x2  }
0x83: {  	_ =	swait.ge @!p0 [sflag:s0], s1  }
0x84: {  	s1 =	ssub.s32 @!p0 $0x0, s1;
	[sflag:s0] =	ssyncset.done @!p0 $0x0  }
0x85: {  	[sflag:s0] =	ssyncadd.s32 @!p0 s1  }
0x86: {  	[bflag:$0x3] =	sbarrier.arrive $0xFFFF  }
0x87: {  	_ =	shalt  }

</sc_bundles>
